<compile_context>
chip_gen: v7x
topology: tpu7x:2x2x1
jax: 0.10.2.dev20260603
libtpu: 0.0.44.dev20260713+nightly
codegen_flags: <defaults>
</compile_context>

<pallas_src>
import functools

import jax
import jax.numpy as jnp
from jax import lax
from jax.experimental import pallas as pl
from jax.experimental.pallas import tpu as pltpu
from jax.experimental.pallas import tpu_sc as plsc

N_NODES = 10000
D = 128
E_TOTAL = 320000
NC = 2
NS = 16
NW = NC * NS
EPW = E_TOTAL // NW
CHUNK = 80
NSTEP = EPW // CHUNK
ROW_STRIDE = 624
COPY_ROWS = 640

_mesh = plsc.VectorSubcoreMesh(core_axis_name="c", subcore_axis_name="s")


def _make_pass_kernel(width):

    @functools.partial(
        pl.kernel,
        out_type=jax.ShapeDtypeStruct((NC * N_NODES, width), jnp.float32),
        mesh=_mesh,
        scratch_types=[
            pltpu.VMEM((EPW,), jnp.int32),
            pltpu.VMEM((NSTEP, CHUNK), jnp.int32),
            pltpu.VMEM((CHUNK, width), jnp.float32),
            pltpu.VMEM((CHUNK, width), jnp.float32),
            pltpu.VMEM_SHARED((N_NODES, width), jnp.float32),
            pltpu.SemaphoreType.DMA,
            pltpu.SemaphoreType.DMA,
        ],
    )
    def pass_kernel(table_hbm, src_hbm, dst_hbm, zrows_hbm, out_hbm,
                    sidx, didx, rows0, rows1, accum, sem0, sem1):
        c = lax.axis_index("c")
        s = lax.axis_index("s")
        wid = s * NC + c
        r0 = pl.multiple_of(s * ROW_STRIDE, 8)

        pltpu.sync_copy(zrows_hbm.at[pl.ds(r0, COPY_ROWS)],
                        accum.at[pl.ds(r0, COPY_ROWS)])
        base = pl.multiple_of(wid * EPW, 8)
        pltpu.sync_copy(src_hbm.at[pl.ds(base, EPW)], sidx)
        pltpu.sync_copy(dst_hbm.at[wid], didx)
        plsc.subcore_barrier()

        def start_gather(j, rows, sem):
            pltpu.async_copy(
                table_hbm.at[sidx.at[pl.ds(j * CHUNK, CHUNK)]], rows, sem)

        def wait_gather(rows, sem):
            pltpu.make_async_copy(table_hbm.at[pl.ds(0, CHUNK)], rows,
                                  sem).wait()

        start_gather(0, rows0, sem0)

        def pair(k, carry):
            j0 = k * 2
            wait_gather(rows0, sem0)
            start_gather(j0 + 1, rows1, sem1)
            pltpu.sync_copy(rows0, accum.at[didx.at[j0]], add=True)
            wait_gather(rows1, sem1)
            start_gather(j0 + 2, rows0, sem0)
            pltpu.sync_copy(rows1, accum.at[didx.at[j0 + 1]], add=True)
            return carry

        lax.fori_loop(0, NSTEP // 2, pair, 0)
        wait_gather(rows0, sem0)
        pltpu.sync_copy(rows0, accum.at[didx.at[NSTEP - 1]], add=True)

        plsc.subcore_barrier()
        pltpu.sync_copy(
            accum.at[pl.ds(r0, COPY_ROWS)],
            out_hbm.at[pl.ds(c * N_NODES + r0, COPY_ROWS)])

    return pass_kernel


_message_kernel = _make_pass_kernel(D)

DEG_HI = 80
CH_E = 16000
NCH = E_TOTAL // CH_E


def _bincount_body(idx_ref, deg_ref):
    i = pl.program_id(0)

    @pl.when(i == 0)
    def _():
        deg_ref[...] = jnp.zeros_like(deg_ref)

    idx_col = idx_ref[...]
    hi = idx_col // 128
    lo = idx_col - hi * 128
    a = (lo == lax.broadcasted_iota(jnp.int32, (CH_E, 128), 1))
    bt = (hi == lax.broadcasted_iota(jnp.int32, (CH_E, DEG_HI), 1))
    deg_ref[...] += lax.dot_general(
        bt.astype(jnp.bfloat16), a.astype(jnp.bfloat16),
        (((0,), (0,)), ((), ())), preferred_element_type=jnp.float32)


_bincount_tc = pl.pallas_call(
    _bincount_body,
    grid=(NCH,),
    in_specs=[pl.BlockSpec((CH_E, 1), lambda i: (i, 0))],
    out_specs=pl.BlockSpec((DEG_HI, 128), lambda i: (0, 0)),
    out_shape=jax.ShapeDtypeStruct((DEG_HI, 128), jnp.float32),
)


def _scale_body(node_ref, deg_ref, out_ref):
    deg = jnp.maximum(deg_ref[...], 1.0)
    out_ref[...] = node_ref[...] * lax.rsqrt(deg)


_scale = pl.pallas_call(
    _scale_body,
    out_shape=jax.ShapeDtypeStruct((N_NODES, D), jnp.float32),
)


def _finish_body(part_ref, deg_ref, out_ref):
    total = part_ref[0] + part_ref[1]
    deg = jnp.maximum(deg_ref[...], 1.0)
    out_ref[...] = total * lax.rsqrt(deg)


_finish = pl.pallas_call(
    _finish_body,
    out_shape=jax.ShapeDtypeStruct((N_NODES, D), jnp.float32),
)


def kernel(u_f, v_f, edge_index):
    src = edge_index[0].astype(jnp.int32)
    dst = edge_index[1].astype(jnp.int32)
    node_f = jnp.concatenate([u_f, v_f], axis=0)
    zeros_2d = jnp.zeros((N_NODES, D), jnp.float32)

    sdeg80 = _bincount_tc(src.reshape(E_TOTAL, 1))
    sdeg = sdeg80.reshape(DEG_HI * 128)[:N_NODES].reshape(N_NODES, 1)

    table = _scale(node_f, sdeg)
    dst3 = dst.reshape(NW, NSTEP, CHUNK)
    parts = _message_kernel(table, src, dst3, zeros_2d)
    parts = parts.reshape(NC, N_NODES, D)

    ddeg80 = _bincount_tc(dst.reshape(E_TOTAL, 1))
    ddeg = ddeg80.reshape(DEG_HI * 128)[:N_NODES].reshape(N_NODES, 1)
    return _finish(parts, ddeg)

# --- scband reference (transcript-rebuilt; emitter-appended) ---
"""Pipeline reference for scband-gcnlayer-40613210751550 (READ-ONLY COPY).

The authoritative reference and input builder live on the scoring server;
editing this copy changes nothing except your own understanding.
"""

import jax, jax.numpy as jnp
import numpy as np

N_U = 5000
N_V = 5000
D = 128
E = 320000

def setup_inputs(seed: int = 0) -> dict:
    key = jax.random.key(seed)
    k1, k2, k3 = jax.random.split(key, 3)
    u_f = jax.random.normal(k1, (N_U, D), dtype=jnp.float32)
    v_f = jax.random.normal(k2, (N_V, D), dtype=jnp.float32)
    edge_index = jax.random.randint(k3, (2, E), 0, N_U + N_V, dtype=jnp.int64)
    return {"u_f": u_f, "v_f": v_f, "edge_index": edge_index}

def reference(u_f, v_f, edge_index):
    N = u_f.shape[0] + v_f.shape[0]
    src = edge_index[0]
    dst = edge_index[1]
    node_f = jnp.concatenate([u_f, v_f], axis=0)
    # out-degree normalization (source-side)
    out_deg = jnp.bincount(src, length=N).astype(jnp.float32)
    out_deg = jnp.clip(out_deg, 1.0, None)
    norm_out = jnp.power(out_deg, -0.5).reshape(-1, 1)
    node_f = node_f * norm_out
    # message passing: copy_u + sum reduce (gather from src, scatter-add to dst)
    msgs = jnp.take(node_f, src, axis=0)
    rst = jax.ops.segment_sum(msgs, dst, num_segments=N)
    # in-degree normalization (destination-side)
    in_deg = jnp.bincount(dst, length=N).astype(jnp.float32)
    in_deg = jnp.clip(in_deg, 1.0, None)
    norm_in = jnp.power(in_deg, -0.5).reshape(-1, 1)
    rst = rst * norm_in
    return rst

if __name__ == "__main__":
    import jax
    _d = setup_inputs()
    print(jax.jit(kernel)(*tuple(_d.values())))

</pallas_src>

<mosaic_0001>
#map = affine_map<(d0, d1) -> (0, 0)>
#map1 = affine_map<(d0, d1) -> (0)>
#map2 = affine_map<(d0, d1) -> (0, 0, 0)>
module attributes {stable_mosaic.version = 14 : i64} {
  func.func @pass_kernel(%arg0: i32, %arg1: i32, %arg2: memref<10000x128xf32, #tpu.memory_space<hbm>>, %arg3: memref<320000xi32, #tpu.memory_space<hbm>>, %arg4: memref<32x125x80xi32, #tpu.memory_space<hbm>>, %arg5: memref<10000x128xf32, #tpu.memory_space<hbm>>, %arg6: memref<20000x128xf32, #tpu.memory_space<hbm>>, %arg7: memref<10000xi32, #tpu.memory_space<vmem>>, %arg8: memref<125x80xi32, #tpu.memory_space<vmem>>, %arg9: memref<80x128xf32, #tpu.memory_space<vmem>>, %arg10: memref<80x128xf32, #tpu.memory_space<vmem>>, %arg11: memref<10000x128xf32, #tpu.memory_space<vmem_shared>>, %arg12: memref<!tpu.dma_semaphore, #tpu.memory_space<semaphore_mem>>, %arg13: memref<!tpu.dma_semaphore, #tpu.memory_space<semaphore_mem>>) attributes {dimension_semantics = [#tpu.dimension_semantics<core_parallel>, #tpu.dimension_semantics<subcore_parallel>], iteration_bounds = array<i64: 2, 16>, scalar_prefetch = 0 : i64, scratch_operands = 7 : i64, tpu.core_type = #tpu.core_type<sc_vector_subcore>, window_params = [{transform_indices = #map}, {transform_indices = #map1}, {transform_indices = #map2}, {transform_indices = #map}, {transform_indices = #map}]} {
    %mul3A = arith.constant 2 : i32
    %mul3A_0 = arith.muli %arg1, %mul3A : i32
    %add3A = arith.addi %mul3A_0, %arg0 : i32
    %mul3A_1 = arith.constant 624 : i32
    %mul3A_2 = arith.muli %arg1, %mul3A_1 : i32
    %multiple_of3A = tpu.assume_multiple %mul3A_2, 8 : i32
    "tpu.region"() ({
      %run_scoped3A_24 = tpu.sem_alloc : memref<!tpu.dma_semaphore, #tpu.memory_space<semaphore_mem>>
      %dma_start3A_25 = arith.constant 0 : i32
      %dma_start3A_26 = tpu.memref_slice %arg11[%multiple_of3A, %dma_start3A_25] : memref<10000x128xf32, #tpu.memory_space<vmem_shared>> -> memref<640x128xf32, #tpu.memory_space<vmem_shared>>
      %dma_start3A_27 = arith.constant 0 : i32
      %dma_start3A_28 = tpu.memref_slice %arg5[%multiple_of3A, %dma_start3A_27] : memref<10000x128xf32, #tpu.memory_space<hbm>> -> memref<640x128xf32, #tpu.memory_space<hbm>>
      tpu.enqueue_dma source(%dma_start3A_28 : memref<640x128xf32, #tpu.memory_space<hbm>>) target(%dma_start3A_26 : memref<640x128xf32, #tpu.memory_space<vmem_shared>>) target_semaphore(%run_scoped3A_24 : memref<!tpu.dma_semaphore, #tpu.memory_space<semaphore_mem>>)
      %dma_wait3A_29 = arith.constant 0 : i32
      %dma_wait3A_30 = tpu.memref_slice %arg11[%multiple_of3A, %dma_wait3A_29] : memref<10000x128xf32, #tpu.memory_space<vmem_shared>> -> memref<640x128xf32, #tpu.memory_space<vmem_shared>>
      %dma_wait3A_31 = arith.constant 0 : i32
      %dma_wait3A_32 = tpu.memref_slice %arg5[%multiple_of3A, %dma_wait3A_31] : memref<10000x128xf32, #tpu.memory_space<hbm>> -> memref<640x128xf32, #tpu.memory_space<hbm>>
      tpu.wait_dma2 semaphore(%run_scoped3A_24 : memref<!tpu.dma_semaphore, #tpu.memory_space<semaphore_mem>>) src(%dma_wait3A_32 : memref<640x128xf32, #tpu.memory_space<hbm>>) dst(%dma_wait3A_30 : memref<640x128xf32, #tpu.memory_space<vmem_shared>>)
      tpu.yield
    }) : () -> ()
    %mul3A_3 = arith.constant 10000 : i32
    %mul3A_4 = arith.muli %add3A, %mul3A_3 : i32
    %multiple_of3A_5 = tpu.assume_multiple %mul3A_4, 8 : i32
    "tpu.region"() ({
      %run_scoped3A_24 = tpu.sem_alloc : memref<!tpu.dma_semaphore, #tpu.memory_space<semaphore_mem>>
      %dma_start3A_25 = tpu.memref_slice %arg3[%multiple_of3A_5] : memref<320000xi32, #tpu.memory_space<hbm>> -> memref<10000xi32, #tpu.memory_space<hbm>>
      %dma_start3A_26 = tpu.memref_slice %arg3[%multiple_of3A_5] : memref<320000xi32, #tpu.memory_space<hbm>> -> memref<10000xi32, #tpu.memory_space<hbm>>
      tpu.enqueue_dma source(%dma_start3A_26 : memref<10000xi32, #tpu.memory_space<hbm>>) target(%arg7 : memref<10000xi32, #tpu.memory_space<vmem>>) target_semaphore(%run_scoped3A_24 : memref<!tpu.dma_semaphore, #tpu.memory_space<semaphore_mem>>)
      %dma_wait3A_27 = tpu.memref_slice %arg3[%multiple_of3A_5] : memref<320000xi32, #tpu.memory_space<hbm>> -> memref<10000xi32, #tpu.memory_space<hbm>>
      %dma_wait3A_28 = tpu.memref_slice %arg3[%multiple_of3A_5] : memref<320000xi32, #tpu.memory_space<hbm>> -> memref<10000xi32, #tpu.memory_space<hbm>>
      tpu.wait_dma2 semaphore(%run_scoped3A_24 : memref<!tpu.dma_semaphore, #tpu.memory_space<semaphore_mem>>) src(%dma_wait3A_28 : memref<10000xi32, #tpu.memory_space<hbm>>) dst(%arg7 : memref<10000xi32, #tpu.memory_space<vmem>>)
      tpu.yield
    }) : () -> ()
    "tpu.region"() ({
      %run_scoped3A_24 = tpu.sem_alloc : memref<!tpu.dma_semaphore, #tpu.memory_space<semaphore_mem>>
      %dma_start3A_25 = arith.constant 0 : i32
      %dma_start3A_26 = arith.constant 0 : i32
      %dma_start3A_27 = tpu.memref_slice %arg4[%add3A, %dma_start3A_25, %dma_start3A_26] : memref<32x125x80xi32, #tpu.memory_space<hbm>> -> memref<1x125x80xi32, #tpu.memory_space<hbm>>
      %dma_start3A_28 = tpu.memref_squeeze %dma_start3A_27 : memref<1x125x80xi32, #tpu.memory_space<hbm>> -> memref<125x80xi32, #tpu.memory_space<hbm>>
      %dma_start3A_29 = arith.constant 0 : i32
      %dma_start3A_30 = arith.constant 0 : i32
      %dma_start3A_31 = tpu.memref_slice %arg4[%add3A, %dma_start3A_29, %dma_start3A_30] : memref<32x125x80xi32, #tpu.memory_space<hbm>> -> memref<1x125x80xi32, #tpu.memory_space<hbm>>
      %dma_start3A_32 = tpu.memref_squeeze %dma_start3A_31 : memref<1x125x80xi32, #tpu.memory_space<hbm>> -> memref<125x80xi32, #tpu.memory_space<hbm>>
      tpu.enqueue_dma source(%dma_start3A_32 : memref<125x80xi32, #tpu.memory_space<hbm>>) target(%arg8 : memref<125x80xi32, #tpu.memory_space<vmem>>) target_semaphore(%run_scoped3A_24 : memref<!tpu.dma_semaphore, #tpu.memory_space<semaphore_mem>>)
      %dma_wait3A_33 = arith.constant 0 : i32
      %dma_wait3A_34 = arith.constant 0 : i32
      %dma_wait3A_35 = tpu.memref_slice %arg4[%add3A, %dma_wait3A_33, %dma_wait3A_34] : memref<32x125x80xi32, #tpu.memory_space<hbm>> -> memref<1x125x80xi32, #tpu.memory_space<hbm>>
      %dma_wait3A_36 = tpu.memref_squeeze %dma_wait3A_35 : memref<1x125x80xi32, #tpu.memory_space<hbm>> -> memref<125x80xi32, #tpu.memory_space<hbm>>
      %dma_wait3A_37 = arith.constant 0 : i32
      %dma_wait3A_38 = arith.constant 0 : i32
      %dma_wait3A_39 = tpu.memref_slice %arg4[%add3A, %dma_wait3A_37, %dma_wait3A_38] : memref<32x125x80xi32, #tpu.memory_space<hbm>> -> memref<1x125x80xi32, #tpu.memory_space<hbm>>
      %dma_wait3A_40 = tpu.memref_squeeze %dma_wait3A_39 : memref<1x125x80xi32, #tpu.memory_space<hbm>> -> memref<125x80xi32, #tpu.memory_space<hbm>>
      tpu.wait_dma2 semaphore(%run_scoped3A_24 : memref<!tpu.dma_semaphore, #tpu.memory_space<semaphore_mem>>) src(%dma_wait3A_40 : memref<125x80xi32, #tpu.memory_space<hbm>>) dst(%arg8 : memref<125x80xi32, #tpu.memory_space<vmem>>)
      tpu.yield
    }) : () -> ()
    %barrier3A = arith.constant 0 : index
    tpu.barrier barrier_id(%barrier3A)
    %dma_start3A = arith.constant 0 : i32
    %dma_start3A_6 = tpu.memref_slice %arg7[%dma_start3A] : memref<10000xi32, #tpu.memory_space<vmem>> -> memref<80xi32, #tpu.memory_space<vmem>>
    %dma_start3A_7 = arith.constant 0 : i32
    %dma_start3A_8 = arith.constant 0 : i32
    %dma_start3A_9 = tpu.memref_slice %arg2[%dma_start3A_7, %dma_start3A_8] : memref<10000x128xf32, #tpu.memory_space<hbm>> -> memref<10000x128xf32, #tpu.memory_space<hbm>>
    tpu.enqueue_indirect_dma source(%dma_start3A_9 : memref<10000x128xf32, #tpu.memory_space<hbm>>) target(%arg9 : memref<80x128xf32, #tpu.memory_space<vmem>>) offsets(%dma_start3A_6 : memref<80xi32, #tpu.memory_space<vmem>>) semaphore(%arg12 : memref<!tpu.dma_semaphore, #tpu.memory_space<semaphore_mem>>)
    %scan3A = arith.constant 0 : i32
    %scan3A_10 = arith.constant 0 : i32
    %scan3A_11 = arith.constant 62 : i32
    %scan3A_12 = arith.addi %scan3A_10, %scan3A_11 : i32
    %scan3A_13 = arith.constant 1 : i32
    scf.for %scan3A_24 = %scan3A_10 to %scan3A_12 step %scan3A_13  : i32 {
      %mul3A_25 = arith.constant 2 : i32
      %mul3A_26 = arith.muli %scan3A_24, %mul3A_25 : i32
      %dma_wait3A_27 = arith.constant 0 : i32
      %dma_wait3A_28 = arith.constant 0 : i32
      %dma_wait3A_29 = tpu.memref_slice %arg2[%dma_wait3A_27, %dma_wait3A_28] : memref<10000x128xf32, #tpu.memory_space<hbm>> -> memref<80x128xf32, #tpu.memory_space<hbm>>
      %dma_wait3A_30 = arith.constant 0 : i32
      %dma_wait3A_31 = arith.constant 0 : i32
      %dma_wait3A_32 = tpu.memref_slice %arg2[%dma_wait3A_30, %dma_wait3A_31] : memref<10000x128xf32, #tpu.memory_space<hbm>> -> memref<80x128xf32, #tpu.memory_space<hbm>>
      tpu.wait_dma2 semaphore(%arg12 : memref<!tpu.dma_semaphore, #tpu.memory_space<semaphore_mem>>) src(%dma_wait3A_32 : memref<80x128xf32, #tpu.memory_space<hbm>>) dst(%arg9 : memref<80x128xf32, #tpu.memory_space<vmem>>)
      %add3A_33 = arith.constant 1 : i32
      %add3A_34 = arith.addi %mul3A_26, %add3A_33 : i32
      %mul3A_35 = arith.constant 80 : i32
      %mul3A_36 = arith.muli %add3A_34, %mul3A_35 : i32
      %dma_start3A_37 = tpu.memref_slice %arg7[%mul3A_36] : memref<10000xi32, #tpu.memory_space<vmem>> -> memref<80xi32, #tpu.memory_space<vmem>>
      %dma_start3A_38 = arith.constant 0 : i32
      %dma_start3A_39 = arith.constant 0 : i32
      %dma_start3A_40 = tpu.memref_slice %arg2[%dma_start3A_38, %dma_start3A_39] : memref<10000x128xf32, #tpu.memory_space<hbm>> -> memref<10000x128xf32, #tpu.memory_space<hbm>>
      tpu.enqueue_indirect_dma source(%dma_start3A_40 : memref<10000x128xf32, #tpu.memory_space<hbm>>) target(%arg10 : memref<80x128xf32, #tpu.memory_space<vmem>>) offsets(%dma_start3A_37 : memref<80xi32, #tpu.memory_space<vmem>>) semaphore(%arg13 : memref<!tpu.dma_semaphore, #tpu.memory_space<semaphore_mem>>)
      "tpu.region"() ({
        %run_scoped3A_57 = tpu.sem_alloc : memref<!tpu.dma_semaphore, #tpu.memory_space<semaphore_mem>>
        %dma_start3A_58 = arith.constant 0 : i32
        %dma_start3A_59 = tpu.memref_slice %arg8[%mul3A_26, %dma_start3A_58] : memref<125x80xi32, #tpu.memory_space<vmem>> -> memref<1x80xi32, #tpu.memory_space<vmem>>
        %dma_start3A_60 = tpu.memref_squeeze %dma_start3A_59 : memref<1x80xi32, #tpu.memory_space<vmem>> -> memref<80xi32, #tpu.memory_space<vmem>>
        %dma_start3A_61 = arith.constant 0 : i32
        %dma_start3A_62 = arith.constant 0 : i32
        %dma_start3A_63 = tpu.memref_slice %arg11[%dma_start3A_61, %dma_start3A_62] : memref<10000x128xf32, #tpu.memory_space<vmem_shared>> -> memref<10000x128xf32, #tpu.memory_space<vmem_shared>>
        tpu.enqueue_indirect_dma source(%arg9 : memref<80x128xf32, #tpu.memory_space<vmem>>) target(%dma_start3A_63 : memref<10000x128xf32, #tpu.memory_space<vmem_shared>>) offsets(%dma_start3A_60 : memref<80xi32, #tpu.memory_space<vmem>>) semaphore(%run_scoped3A_57 : memref<!tpu.dma_semaphore, #tpu.memory_space<semaphore_mem>>) {add = true}
        %dma_wait3A_64 = arith.constant 0 : i32
        %dma_wait3A_65 = tpu.memref_slice %arg8[%mul3A_26, %dma_wait3A_64] : memref<125x80xi32, #tpu.memory_space<vmem>> -> memref<1x80xi32, #tpu.memory_space<vmem>>
        %dma_wait3A_66 = tpu.memref_squeeze %dma_wait3A_65 : memref<1x80xi32, #tpu.memory_space<vmem>> -> memref<80xi32, #tpu.memory_space<vmem>>
        %dma_wait3A_67 = arith.constant 0 : i32
        %dma_wait3A_68 = arith.constant 0 : i32
        %dma_wait3A_69 = tpu.memref_slice %arg11[%dma_wait3A_67, %dma_wait3A_68] : memref<10000x128xf32, #tpu.memory_space<vmem_shared>> -> memref<10000x128xf32, #tpu.memory_space<vmem_shared>>
        tpu.wait_indirect_dma semaphore(%run_scoped3A_57 : memref<!tpu.dma_semaphore, #tpu.memory_space<semaphore_mem>>) src(%arg9 : memref<80x128xf32, #tpu.memory_space<vmem>>) dst(%dma_wait3A_69 : memref<10000x128xf32, #tpu.memory_space<vmem_shared>>)
        tpu.yield
      }) : () -> ()
      %dma_wait3A_41 = arith.constant 0 : i32
      %dma_wait3A_42 = arith.constant 0 : i32
      %dma_wait3A_43 = tpu.memref_slice %arg2[%dma_wait3A_41, %dma_wait3A_42] : memref<10000x128xf32, #tpu.memory_space<hbm>> -> memref<80x128xf32, #tpu.memory_space<hbm>>
      %dma_wait3A_44 = arith.constant 0 : i32
      %dma_wait3A_45 = arith.constant 0 : i32
      %dma_wait3A_46 = tpu.memref_slice %arg2[%dma_wait3A_44, %dma_wait3A_45] : memref<10000x128xf32, #tpu.memory_space<hbm>> -> memref<80x128xf32, #tpu.memory_space<hbm>>
      tpu.wait_dma2 semaphore(%arg13 : memref<!tpu.dma_semaphore, #tpu.memory_space<semaphore_mem>>) src(%dma_wait3A_46 : memref<80x128xf32, #tpu.memory_space<hbm>>) dst(%arg10 : memref<80x128xf32, #tpu.memory_space<vmem>>)
      %add3A_47 = arith.constant 2 : i32
      %add3A_48 = arith.addi %mul3A_26, %add3A_47 : i32
      %mul3A_49 = arith.constant 80 : i32
      %mul3A_50 = arith.muli %add3A_48, %mul3A_49 : i32
      %dma_start3A_51 = tpu.memref_slice %arg7[%mul3A_50] : memref<10000xi32, #tpu.memory_space<vmem>> -> memref<80xi32, #tpu.memory_space<vmem>>
      %dma_start3A_52 = arith.constant 0 : i32
      %dma_start3A_53 = arith.constant 0 : i32
      %dma_start3A_54 = tpu.memref_slice %arg2[%dma_start3A_52, %dma_start3A_53] : memref<10000x128xf32, #tpu.memory_space<hbm>> -> memref<10000x128xf32, #tpu.memory_space<hbm>>
      tpu.enqueue_indirect_dma source(%dma_start3A_54 : memref<10000x128xf32, #tpu.memory_space<hbm>>) target(%arg9 : memref<80x128xf32, #tpu.memory_space<vmem>>) offsets(%dma_start3A_51 : memref<80xi32, #tpu.memory_space<vmem>>) semaphore(%arg12 : memref<!tpu.dma_semaphore, #tpu.memory_space<semaphore_mem>>)
      %add3A_55 = arith.constant 1 : i32
      %add3A_56 = arith.addi %mul3A_26, %add3A_55 : i32
      "tpu.region"() ({
        %run_scoped3A_57 = tpu.sem_alloc : memref<!tpu.dma_semaphore, #tpu.memory_space<semaphore_mem>>
        %dma_start3A_58 = arith.constant 0 : i32
        %dma_start3A_59 = tpu.memref_slice %arg8[%add3A_56, %dma_start3A_58] : memref<125x80xi32, #tpu.memory_space<vmem>> -> memref<1x80xi32, #tpu.memory_space<vmem>>
        %dma_start3A_60 = tpu.memref_squeeze %dma_start3A_59 : memref<1x80xi32, #tpu.memory_space<vmem>> -> memref<80xi32, #tpu.memory_space<vmem>>
        %dma_start3A_61 = arith.constant 0 : i32
        %dma_start3A_62 = arith.constant 0 : i32
        %dma_start3A_63 = tpu.memref_slice %arg11[%dma_start3A_61, %dma_start3A_62] : memref<10000x128xf32, #tpu.memory_space<vmem_shared>> -> memref<10000x128xf32, #tpu.memory_space<vmem_shared>>
        tpu.enqueue_indirect_dma source(%arg10 : memref<80x128xf32, #tpu.memory_space<vmem>>) target(%dma_start3A_63 : memref<10000x128xf32, #tpu.memory_space<vmem_shared>>) offsets(%dma_start3A_60 : memref<80xi32, #tpu.memory_space<vmem>>) semaphore(%run_scoped3A_57 : memref<!tpu.dma_semaphore, #tpu.memory_space<semaphore_mem>>) {add = true}
        %dma_wait3A_64 = arith.constant 0 : i32
        %dma_wait3A_65 = tpu.memref_slice %arg8[%add3A_56, %dma_wait3A_64] : memref<125x80xi32, #tpu.memory_space<vmem>> -> memref<1x80xi32, #tpu.memory_space<vmem>>
        %dma_wait3A_66 = tpu.memref_squeeze %dma_wait3A_65 : memref<1x80xi32, #tpu.memory_space<vmem>> -> memref<80xi32, #tpu.memory_space<vmem>>
        %dma_wait3A_67 = arith.constant 0 : i32
        %dma_wait3A_68 = arith.constant 0 : i32
        %dma_wait3A_69 = tpu.memref_slice %arg11[%dma_wait3A_67, %dma_wait3A_68] : memref<10000x128xf32, #tpu.memory_space<vmem_shared>> -> memref<10000x128xf32, #tpu.memory_space<vmem_shared>>
        tpu.wait_indirect_dma semaphore(%run_scoped3A_57 : memref<!tpu.dma_semaphore, #tpu.memory_space<semaphore_mem>>) src(%arg10 : memref<80x128xf32, #tpu.memory_space<vmem>>) dst(%dma_wait3A_69 : memref<10000x128xf32, #tpu.memory_space<vmem_shared>>)
        tpu.yield
      }) : () -> ()
    }
    %scan3A_14 = arith.constant 62 : i32
    %dma_wait3A = arith.constant 0 : i32
    %dma_wait3A_15 = arith.constant 0 : i32
    %dma_wait3A_16 = tpu.memref_slice %arg2[%dma_wait3A, %dma_wait3A_15] : memref<10000x128xf32, #tpu.memory_space<hbm>> -> memref<80x128xf32, #tpu.memory_space<hbm>>
    %dma_wait3A_17 = arith.constant 0 : i32
    %dma_wait3A_18 = arith.constant 0 : i32
    %dma_wait3A_19 = tpu.memref_slice %arg2[%dma_wait3A_17, %dma_wait3A_18] : memref<10000x128xf32, #tpu.memory_space<hbm>> -> memref<80x128xf32, #tpu.memory_space<hbm>>
    tpu.wait_dma2 semaphore(%arg12 : memref<!tpu.dma_semaphore, #tpu.memory_space<semaphore_mem>>) src(%dma_wait3A_19 : memref<80x128xf32, #tpu.memory_space<hbm>>) dst(%arg9 : memref<80x128xf32, #tpu.memory_space<vmem>>)
    %run_scoped3A = arith.constant 124 : i32
    "tpu.region"() ({
      %run_scoped3A_24 = tpu.sem_alloc : memref<!tpu.dma_semaphore, #tpu.memory_space<semaphore_mem>>
      %dma_start3A_25 = arith.constant 0 : i32
      %dma_start3A_26 = tpu.memref_slice %arg8[%run_scoped3A, %dma_start3A_25] : memref<125x80xi32, #tpu.memory_space<vmem>> -> memref<1x80xi32, #tpu.memory_space<vmem>>
      %dma_start3A_27 = tpu.memref_squeeze %dma_start3A_26 : memref<1x80xi32, #tpu.memory_space<vmem>> -> memref<80xi32, #tpu.memory_space<vmem>>
      %dma_start3A_28 = arith.constant 0 : i32
      %dma_start3A_29 = arith.constant 0 : i32
      %dma_start3A_30 = tpu.memref_slice %arg11[%dma_start3A_28, %dma_start3A_29] : memref<10000x128xf32, #tpu.memory_space<vmem_shared>> -> memref<10000x128xf32, #tpu.memory_space<vmem_shared>>
      tpu.enqueue_indirect_dma source(%arg9 : memref<80x128xf32, #tpu.memory_space<vmem>>) target(%dma_start3A_30 : memref<10000x128xf32, #tpu.memory_space<vmem_shared>>) offsets(%dma_start3A_27 : memref<80xi32, #tpu.memory_space<vmem>>) semaphore(%run_scoped3A_24 : memref<!tpu.dma_semaphore, #tpu.memory_space<semaphore_mem>>) {add = true}
      %dma_wait3A_31 = arith.constant 0 : i32
      %dma_wait3A_32 = tpu.memref_slice %arg8[%run_scoped3A, %dma_wait3A_31] : memref<125x80xi32, #tpu.memory_space<vmem>> -> memref<1x80xi32, #tpu.memory_space<vmem>>
      %dma_wait3A_33 = tpu.memref_squeeze %dma_wait3A_32 : memref<1x80xi32, #tpu.memory_space<vmem>> -> memref<80xi32, #tpu.memory_space<vmem>>
      %dma_wait3A_34 = arith.constant 0 : i32
      %dma_wait3A_35 = arith.constant 0 : i32
      %dma_wait3A_36 = tpu.memref_slice %arg11[%dma_wait3A_34, %dma_wait3A_35] : memref<10000x128xf32, #tpu.memory_space<vmem_shared>> -> memref<10000x128xf32, #tpu.memory_space<vmem_shared>>
      tpu.wait_indirect_dma semaphore(%run_scoped3A_24 : memref<!tpu.dma_semaphore, #tpu.memory_space<semaphore_mem>>) src(%arg9 : memref<80x128xf32, #tpu.memory_space<vmem>>) dst(%dma_wait3A_36 : memref<10000x128xf32, #tpu.memory_space<vmem_shared>>)
      tpu.yield
    }) : () -> ()
    %barrier3A_20 = arith.constant 0 : index
    tpu.barrier barrier_id(%barrier3A_20)
    %mul3A_21 = arith.constant 10000 : i32
    %mul3A_22 = arith.muli %arg0, %mul3A_21 : i32
    %add3A_23 = arith.addi %mul3A_22, %multiple_of3A : i32
    "tpu.region"() ({
      %run_scoped3A_24 = tpu.sem_alloc : memref<!tpu.dma_semaphore, #tpu.memory_space<semaphore_mem>>
      %dma_start3A_25 = arith.constant 0 : i32
      %dma_start3A_26 = tpu.memref_slice %arg6[%add3A_23, %dma_start3A_25] : memref<20000x128xf32, #tpu.memory_space<hbm>> -> memref<640x128xf32, #tpu.memory_space<hbm>>
      %dma_start3A_27 = arith.constant 0 : i32
      %dma_start3A_28 = tpu.memref_slice %arg11[%multiple_of3A, %dma_start3A_27] : memref<10000x128xf32, #tpu.memory_space<vmem_shared>> -> memref<640x128xf32, #tpu.memory_space<vmem_shared>>
      tpu.enqueue_dma source(%dma_start3A_28 : memref<640x128xf32, #tpu.memory_space<vmem_shared>>) target(%dma_start3A_26 : memref<640x128xf32, #tpu.memory_space<hbm>>) target_semaphore(%run_scoped3A_24 : memref<!tpu.dma_semaphore, #tpu.memory_space<semaphore_mem>>)
      %dma_wait3A_29 = arith.constant 0 : i32
      %dma_wait3A_30 = tpu.memref_slice %arg6[%add3A_23, %dma_wait3A_29] : memref<20000x128xf32, #tpu.memory_space<hbm>> -> memref<640x128xf32, #tpu.memory_space<hbm>>
      %dma_wait3A_31 = arith.constant 0 : i32
      %dma_wait3A_32 = tpu.memref_slice %arg11[%multiple_of3A, %dma_wait3A_31] : memref<10000x128xf32, #tpu.memory_space<vmem_shared>> -> memref<640x128xf32, #tpu.memory_space<vmem_shared>>
      tpu.wait_dma2 semaphore(%run_scoped3A_24 : memref<!tpu.dma_semaphore, #tpu.memory_space<semaphore_mem>>) src(%dma_wait3A_32 : memref<640x128xf32, #tpu.memory_space<vmem_shared>>) dst(%dma_wait3A_30 : memref<640x128xf32, #tpu.memory_space<hbm>>)
      tpu.yield
    }) : () -> ()
    return
  }
}

module attributes {stable_mosaic.version = 14 : i64} {
  func.func @_bincount_body(%arg0: i32, %arg1: memref<16000x1xi32, #tpu.memory_space<vmem>>, %arg2: memref<80x128xf32, #tpu.memory_space<vmem>>) attributes {dimension_semantics = [#tpu.dimension_semantics<arbitrary>], iteration_bounds = array<i64: 20>, scalar_prefetch = 0 : i64, scratch_operands = 0 : i64, tpu.core_type = #tpu.core_type<tc>, window_params = [{transform_indices = @transform_0, window_bounds = array<i64: 16000, 1>}, {pipeline_mode = #tpu.pipeline_mode<synchronous>, transform_indices = @transform_1, window_bounds = array<i64: 80, 128>}]} {
    %eq3A = arith.constant 0 : i32
    %eq3A_0 = arith.cmpi eq, %arg0, %eq3A : i32
    %convert_element_type3A = arith.extui %eq3A_0 : i1 to i32
    %cond3A = arith.constant 0 : i32
    %cond3A_1 = arith.cmpi ne, %convert_element_type3A, %cond3A : i32
    scf.if %cond3A_1 {
      %broadcast_in_dim3A = arith.constant 0.000000e+00 : f32
      %broadcast_in_dim3A_47 = vector.broadcast %broadcast_in_dim3A : f32 to vector<80x128xf32>
      %swap3A_48 = arith.constant 0 : index
      %swap3A_49 = arith.constant 0 : index
      %swap3A_50 = vector.load %arg2[%swap3A_48, %swap3A_49] : memref<80x128xf32, #tpu.memory_space<vmem>>, vector<80x128xf32>
      tpu.vector_store %arg2[%swap3A_48, %swap3A_49], %broadcast_in_dim3A_47 {strides = array<i32>} : memref<80x128xf32, #tpu.memory_space<vmem>>, vector<80x128xf32>,
    } else {
    }
    %get3A = arith.constant 0 : index
    %get3A_2 = arith.constant 0 : index
    %get3A_3 = vector.load %arg1[%get3A, %get3A_2] : memref<16000x1xi32, #tpu.memory_space<vmem>>, vector<16000x1xi32>
    %jit3A = arith.constant 128 : i32
    %div3A = vector.broadcast %jit3A : i32 to vector<16000x1xi32>
    %div3A_4 = arith.divsi %get3A_3, %div3A : vector<16000x1xi32>
    %sign3A = arith.constant 0 : i32
    %sign3A_5 = vector.broadcast %sign3A : i32 to vector<16000x1xi32>
    %sign3A_6 = arith.cmpi sgt, %get3A_3, %sign3A_5 : vector<16000x1xi32>
    %sign3A_7 = arith.extui %sign3A_6 : vector<16000x1xi1> to vector<16000x1xi32>
    %sign3A_8 = arith.constant 0 : i32
    %sign3A_9 = vector.broadcast %sign3A_8 : i32 to vector<16000x1xi32>
    %sign3A_10 = arith.cmpi slt, %get3A_3, %sign3A_9 : vector<16000x1xi32>
    %sign3A_11 = arith.extui %sign3A_10 : vector<16000x1xi1> to vector<16000x1xi32>
    %sign3A_12 = arith.subi %sign3A_7, %sign3A_11 : vector<16000x1xi32>
    %sign3A_13 = arith.constant 0 : i32
    %sign3A_14 = arith.cmpi sgt, %jit3A, %sign3A_13 : i32
    %sign3A_15 = arith.extui %sign3A_14 : i1 to i32
    %sign3A_16 = arith.constant 0 : i32
    %sign3A_17 = arith.cmpi slt, %jit3A, %sign3A_16 : i32
    %sign3A_18 = arith.extui %sign3A_17 : i1 to i32
    %sign3A_19 = arith.subi %sign3A_15, %sign3A_18 : i32
    %ne3A = vector.broadcast %sign3A_19 : i32 to vector<16000x1xi32>
    %ne3A_20 = arith.cmpi ne, %sign3A_12, %ne3A : vector<16000x1xi32>
    %rem3A = vector.broadcast %jit3A : i32 to vector<16000x1xi32>
    %rem3A_21 = arith.remsi %get3A_3, %rem3A : vector<16000x1xi32>
    %ne3A_22 = arith.constant 0 : i32
    %ne3A_23 = vector.broadcast %ne3A_22 : i32 to vector<16000x1xi32>
    %ne3A_24 = arith.cmpi ne, %rem3A_21, %ne3A_23 : vector<16000x1xi32>
    %and3A = arith.andi %ne3A_20, %ne3A_24 : vector<16000x1xi1>
    %sub3A = arith.constant 1 : i32
    %sub3A_25 = vector.broadcast %sub3A : i32 to vector<16000x1xi32>
    %sub3A_26 = arith.subi %div3A_4, %sub3A_25 : vector<16000x1xi32>
    %select_n3A = arith.select %and3A, %sub3A_26, %div3A_4 : vector<16000x1xi1>, vector<16000x1xi32>
    %mul3A = arith.constant 128 : i32
    %mul3A_27 = vector.broadcast %mul3A : i32 to vector<16000x1xi32>
    %mul3A_28 = arith.muli %select_n3A, %mul3A_27 : vector<16000x1xi32>
    %sub3A_29 = arith.subi %get3A_3, %mul3A_28 : vector<16000x1xi32>
    %iota3A = tpu.iota {dimensions = array<i32: 1>} : vector<16000x128xi32>
    %eq3A_30 = vector.broadcast %sub3A_29 : vector<16000x1xi32> to vector<16000x128xi32>
    %eq3A_31 = arith.cmpi eq, %eq3A_30, %iota3A : vector<16000x128xi32>
    %iota3A_32 = tpu.iota {dimensions = array<i32: 1>} : vector<16000x80xi32>
    %eq3A_33 = vector.broadcast %select_n3A : vector<16000x1xi32> to vector<16000x80xi32>
    %eq3A_34 = arith.cmpi eq, %eq3A_33, %iota3A_32 : vector<16000x80xi32>
    %get3A_35 = arith.constant 0 : index
    %get3A_36 = arith.constant 0 : index
    %get3A_37 = vector.load %arg2[%get3A_35, %get3A_36] : memref<80x128xf32, #tpu.memory_space<vmem>>, vector<80x128xf32>
    %convert_element_type3A_38 = arith.extui %eq3A_34 : vector<16000x80xi1> to vector<16000x80xi32>
    %convert_element_type3A_39 = arith.sitofp %convert_element_type3A_38 : vector<16000x80xi32> to vector<16000x80xf32>
    %convert_element_type3A_40 = arith.truncf %convert_element_type3A_39 : vector<16000x80xf32> to vector<16000x80xbf16>
    %convert_element_type3A_41 = arith.extui %eq3A_31 : vector<16000x128xi1> to vector<16000x128xi32>
    %convert_element_type3A_42 = arith.sitofp %convert_element_type3A_41 : vector<16000x128xi32> to vector<16000x128xf32>
    %convert_element_type3A_43 = arith.truncf %convert_element_type3A_42 : vector<16000x128xf32> to vector<16000x128xbf16>
    %dot_general3A = arith.constant dense<0.000000e+00> : vector<80x128xf32>
    %dot_general3A_44 = tpu.matmul %convert_element_type3A_40, %convert_element_type3A_43, %dot_general3A {dimension_numbers = #tpu.dot_dimension_numbers<[0], [0], [1], [1], [0, 1, 1, 1], [], []>, transpose_lhs_hint = false} : vector<16000x80xbf16>, vector<16000x128xbf16>, vector<80x128xf32> -> vector<80x128xf32>
    %add3A = arith.addf %get3A_37, %dot_general3A_44 : vector<80x128xf32>
    %swap3A = arith.constant 0 : index
    %swap3A_45 = arith.constant 0 : index
    %swap3A_46 = vector.load %arg2[%swap3A, %swap3A_45] : memref<80x128xf32, #tpu.memory_space<vmem>>, vector<80x128xf32>
    tpu.vector_store %arg2[%swap3A, %swap3A_45], %add3A {strides = array<i32>} : memref<80x128xf32, #tpu.memory_space<vmem>>, vector<80x128xf32>,
    return
  }
  func.func @transform_0(%arg0: i32) -> (i32, i32) {
    %c0_i32 = arith.constant 0 : i32
    %c0_i32_0 = arith.constant 0 : i32
    return %arg0, %c0_i32 : i32, i32
  }
  func.func @transform_1(%arg0: i32) -> (i32, i32) {
    %c0_i32 = arith.constant 0 : i32
    %c0_i32_0 = arith.constant 0 : i32
    %c0_i32_1 = arith.constant 0 : i32
    return %c0_i32, %c0_i32_0 : i32, i32
  }
}

module attributes {stable_mosaic.version = 14 : i64} {
  func.func @_scale_body(%arg0: memref<10000x128xf32, #tpu.memory_space<vmem>>, %arg1: memref<10000x1xf32, #tpu.memory_space<vmem>>, %arg2: memref<10000x128xf32, #tpu.memory_space<vmem>>) attributes {dimension_semantics = [], scalar_prefetch = 0 : i64, scratch_operands = 0 : i64, tpu.core_type = #tpu.core_type<tc>} {
    %get3A = arith.constant 0 : index
    %get3A_0 = arith.constant 0 : index
    %get3A_1 = vector.load %arg1[%get3A, %get3A_0] : memref<10000x1xf32, #tpu.memory_space<vmem>>, vector<10000x1xf32>
    %max3A = arith.constant 1.000000e+00 : f32
    %max3A_2 = vector.broadcast %max3A : f32 to vector<10000x1xf32>
    %max3A_3 = arith.maximumf %get3A_1, %max3A_2 : vector<10000x1xf32>
    %get3A_4 = arith.constant 0 : index
    %get3A_5 = arith.constant 0 : index
    %get3A_6 = vector.load %arg0[%get3A_4, %get3A_5] : memref<10000x128xf32, #tpu.memory_space<vmem>>, vector<10000x128xf32>
    %rsqrt3A = math.rsqrt %max3A_3 : vector<10000x1xf32>
    %mul3A = vector.broadcast %rsqrt3A : vector<10000x1xf32> to vector<10000x128xf32>
    %mul3A_7 = arith.mulf %get3A_6, %mul3A : vector<10000x128xf32>
    %swap3A = arith.constant 0 : index
    %swap3A_8 = arith.constant 0 : index
    %swap3A_9 = vector.load %arg2[%swap3A, %swap3A_8] : memref<10000x128xf32, #tpu.memory_space<vmem>>, vector<10000x128xf32>
    tpu.vector_store %arg2[%swap3A, %swap3A_8], %mul3A_7 {strides = array<i32>} : memref<10000x128xf32, #tpu.memory_space<vmem>>, vector<10000x128xf32>,
    return
  }
}

module attributes {stable_mosaic.version = 14 : i64} {
  func.func @_finish_body(%arg0: memref<2x10000x128xf32, #tpu.memory_space<vmem>>, %arg1: memref<10000x1xf32, #tpu.memory_space<vmem>>, %arg2: memref<10000x128xf32, #tpu.memory_space<vmem>>) attributes {dimension_semantics = [], scalar_prefetch = 0 : i64, scratch_operands = 0 : i64, tpu.core_type = #tpu.core_type<tc>} {
    %get3A = arith.constant 0 : index
    %get3A_0 = arith.constant 0 : index
    %get3A_1 = arith.constant 0 : index
    %get3A_2 = vector.load %arg0[%get3A, %get3A_0, %get3A_1] : memref<2x10000x128xf32, #tpu.memory_space<vmem>>, vector<1x10000x128xf32>
    %get3A_3 = vector.shape_cast %get3A_2 : vector<1x10000x128xf32> to vector<10000x128xf32>
    %get3A_4 = arith.constant 1 : index
    %get3A_5 = arith.constant 0 : index
    %get3A_6 = arith.constant 0 : index
    %get3A_7 = vector.load %arg0[%get3A_4, %get3A_5, %get3A_6] : memref<2x10000x128xf32, #tpu.memory_space<vmem>>, vector<1x10000x128xf32>
    %get3A_8 = vector.shape_cast %get3A_7 : vector<1x10000x128xf32> to vector<10000x128xf32>
    %add3A = arith.addf %get3A_3, %get3A_8 : vector<10000x128xf32>
    %get3A_9 = arith.constant 0 : index
    %get3A_10 = arith.constant 0 : index
    %get3A_11 = vector.load %arg1[%get3A_9, %get3A_10] : memref<10000x1xf32, #tpu.memory_space<vmem>>, vector<10000x1xf32>
    %max3A = arith.constant 1.000000e+00 : f32
    %max3A_12 = vector.broadcast %max3A : f32 to vector<10000x1xf32>
    %max3A_13 = arith.maximumf %get3A_11, %max3A_12 : vector<10000x1xf32>
    %rsqrt3A = math.rsqrt %max3A_13 : vector<10000x1xf32>
    %mul3A = vector.broadcast %rsqrt3A : vector<10000x1xf32> to vector<10000x128xf32>
    %mul3A_14 = arith.mulf %add3A, %mul3A : vector<10000x128xf32>
    %swap3A = arith.constant 0 : index
    %swap3A_15 = arith.constant 0 : index
    %swap3A_16 = vector.load %arg2[%swap3A, %swap3A_15] : memref<10000x128xf32, #tpu.memory_space<vmem>>, vector<10000x128xf32>
    tpu.vector_store %arg2[%swap3A, %swap3A_15], %mul3A_14 {strides = array<i32>} : memref<10000x128xf32, #tpu.memory_space<vmem>>, vector<10000x128xf32>,
    return
  }
}

</mosaic_0001>

<sc_bundles>
// kernel: kernel.7.cloned.1.call-start
scs
__scs_entry_jumppad:
0x0: {  	(pc) =	sbr.rel $0x88, $3  }
0x1: {  	(tag) =	ssettag $0x0;
	lr =	simm.s32 $0x1  }
0x2: {  	[smem:$0x3F9E] =	sst lr;
	_ =	strace $0xD0000000  }
0x3: {  	_ = 	snop  }
0x4: {  	_ = 	snop  }
0x5: {  	_ = 	snop  }
0x6: {  	_ = 	snop  }
0x7: {  	_ = 	snop  }
__scs_overlays_trampoline_lowered:
0x8: {  	[smem:$0x3FAD] =	sst s0  }
0x9: {  	[smem:$0x3FAE] =	sst s1  }
0xa: {  	[smem:$0x3FAF] =	sst s2  }
0xb: {  	[smem:$0x3FB0] =	sst s3  }
0xc: {  	[smem:$0x3FB1] =	sst s4  }
0xd: {  	[smem:$0x3FB2] =	sst s5  }
0xe: {  	[smem:$0x3FB3] =	sst s6  }
0xf: {  	[smem:$0x3FB4] =	sst s7  }
0x10: {  	[smem:$0x3FB5] =	sst s8  }
0x11: {  	[smem:$0x3FB6] =	sst s9;
	s0 =	simm.s32 @!p0 $0x0  }
0x12: {  	s1 =	sld [smem:$0x3F9C];
	s0 =	simm.s32 @p0 $0x1  }
0x13: {  	[smem:$0x3FB7] =	sst s0;
	s0 =	simm.s32 @!p1 $0x0  }
0x14: {  	s2 =	sld [smem:$0x3F9B];
	s0 =	simm.s32 @p1 $0x1  }
0x15: {  	[smem:$0x3FB8] =	sst s0;
	s0 =	simm.s32 @!p2 $0x0  }
0x16: {  	s3 =	sld [smem:$0x3FDB];
	s0 =	simm.s32 @p2 $0x1  }
0x17: {  	s4 =	simm.s32 $0x1BF5;
	[smem:$0x3FBA] =	sst s0  }
0x18: {  	s0 =	sld [smem:$0x3F9D];
	_ =	swait.ge [sflag:s4], $0x0  }
0x19: {  	s7 =	sld [smem:$0x3F9E]  }
0x1a: {  	s8 =	sadd.s32 $0xFFFFE003, lr  }
0x1b: {  	s9 =	sadd.s32 $0xFFFFFEF7, lr;
	s5 =	simm.s32 $0xFFFFFFFF;
	p2 =	slt.u32 s8, $0xFFFFF086  }
0x1c: {  	p1 =	slt.u32 s9, $0xF7A;
	s5 =	simm.s32 @!p2 $0x0  }
0x1d: {  	s5 =	simm.s32 @p1 $0x1;
	p0 =	seq.s32 s7, s2  }
0x1e: {  	s7 =	smul.u32 @!p0 $0xF7A, s2;
	p2 =	seq.s32 @!p0 s5, $0x0  }
0x1f: {  	s9 =	smul.u32 $0xF7A, s1;
	s8 =	simm.s32 @!p0 $0x1BF5;
	p2 =	por !p2, p0  }
0x20: {  	[sflag:s8] =	ssyncset.s32 @!p0 $0xFFFFF086;
	s6 =	sadd.s32 @!p0 s3, s7;
	s7 =	simm.s32 @!p0 $0x108  }
0x21: {  	s3 =	sadd.s32 s3, s9;
	s6 =	sadd.s32 @!p0 $0x88, s6;
	s7 =	simm.s32 @p2 $0x1082  }
0x22: {  	[simem:s7], [sflag:s8] =	dma.local @!p0 [hbm:s6], $0xF7A  }
0x23: {  	s9 =	sor.u32 $0xD0000000, s2;
	s6 =	simm.s32 $0x108;
	_ =	swait.ge @!p0 [sflag:s8], $0x0  }
0x24: {  	s3 =	sadd.s32 $0x88, s3;
	s6 =	simm.s32 @!p1 $0x1082;
	[sflag:s4] =	ssyncset.s32 $0xFFFFF086  }
0x25: {  	[simem:s6], [sflag:s4] =	dma.local [hbm:s3], $0xF7A  }
0x26: {  	[smem:$0x3F9E] =	sst s1;
	(tag) =	ssettag s2;
	_ =	strace s9  }
0x27: {  	s1 =	sld [smem:$0x3FAE]  }
0x28: {  	s2 =	sld [smem:$0x3FAF]  }
0x29: {  	s4 =	sld [smem:$0x3FB1]  }
0x2a: {  	p0 =	seq.s32 s5, $0x0;
	s5 =	sld [smem:$0x3FB2]  }
0x2b: {  	s6 =	sld [smem:$0x3FB3]  }
0x2c: {  	s7 =	sld [smem:$0x3FB4]  }
0x2d: {  	s3 =	simm.s32 $0x108;
	s8 =	sld [smem:$0x3FB5]  }
0x2e: {  	s3 =	simm.s32 @!p0 $0x1082;
	s9 =	sld [smem:$0x3FB6]  }
0x2f: {  	lr =	sadd.s32 s0, s3;
	s0 =	sld [smem:$0x3FAD]  }
0x30: {  	s3 =	sld [smem:$0x3FB0]  }
0x31: {  	[smem:$0x3FB9] =	sst s10  }
0x32: {  	s10 =	sld [smem:$0x3FB7];
	_ =	sdelay $0x3  }
0x33: {  	p0 =	seq.s32 s10, $0x1;
	s10 =	sld [smem:$0x3FB9];
	_ =	sdelay $0x3  }
0x34: {  	[smem:$0x3FB9] =	sst s10  }
0x35: {  	s10 =	sld [smem:$0x3FB8];
	_ =	sdelay $0x3  }
0x36: {  	p1 =	seq.s32 s10, $0x1;
	s10 =	sld [smem:$0x3FB9];
	_ =	sdelay $0x3  }
0x37: {  	[smem:$0x3FB9] =	sst s10  }
0x38: {  	s10 =	sld [smem:$0x3FBA]  }
0x39: {  	_ = 	snop;
	(pc) =	sbr.ind lr, $3  }
0x3a: {  	_ = 	snop  }
0x3b: {  	_ = 	snop  }
0x3c: {  	p2 =	seq.s32 s10, $0x1;
	s10 =	sld [smem:$0x3FB9]  }
0x3d: {  	_ =	shalt  }
0x3e: {  	_ =	shalt  }
0x3f: {  	_ =	shalt  }
0x40: {  	_ =	shalt  }
0x41: {  	_ =	shalt  }
0x42: {  	_ =	shalt  }
0x43: {  	_ =	shalt  }
0x44: {  	_ =	shalt  }
0x45: {  	_ =	shalt  }
0x46: {  	_ =	shalt  }
0x47: {  	_ =	shalt  }
0x48: {  	_ =	shalt  }
0x49: {  	_ =	shalt  }
0x4a: {  	_ =	shalt  }
0x4b: {  	_ =	shalt  }
0x4c: {  	_ =	shalt  }
0x4d: {  	_ =	shalt  }
0x4e: {  	_ =	shalt  }
0x4f: {  	_ =	shalt  }
0x50: {  	_ =	shalt  }
0x51: {  	_ =	shalt  }
0x52: {  	_ =	shalt  }
0x53: {  	_ =	shalt  }
0x54: {  	_ =	shalt  }
0x55: {  	_ =	shalt  }
0x56: {  	_ =	shalt  }
0x57: {  	_ =	shalt  }
0x58: {  	_ =	shalt  }
0x59: {  	_ =	shalt  }
0x5a: {  	_ =	shalt  }
0x5b: {  	_ =	shalt  }
0x5c: {  	_ =	shalt  }
0x5d: {  	_ =	shalt  }
0x5e: {  	_ =	shalt  }
0x5f: {  	_ =	shalt  }
0x60: {  	_ =	shalt  }
0x61: {  	_ =	shalt  }
0x62: {  	_ =	shalt  }
0x63: {  	_ =	shalt  }
0x64: {  	_ =	shalt  }
0x65: {  	_ =	shalt  }
0x66: {  	_ =	shalt  }
0x67: {  	_ =	shalt  }
0x68: {  	_ =	shalt  }
0x69: {  	_ =	shalt  }
0x6a: {  	_ =	shalt  }
0x6b: {  	_ =	shalt  }
0x6c: {  	_ =	shalt  }
0x6d: {  	_ =	shalt  }
0x6e: {  	_ =	shalt  }
0x6f: {  	_ =	shalt  }
0x70: {  	_ =	shalt  }
0x71: {  	_ =	shalt  }
0x72: {  	_ =	shalt  }
0x73: {  	_ =	shalt  }
0x74: {  	_ =	shalt  }
0x75: {  	_ =	shalt  }
0x76: {  	_ =	shalt  }
0x77: {  	_ =	shalt  }
0x78: {  	_ =	shalt  }
0x79: {  	_ =	shalt  }
0x7a: {  	_ =	shalt  }
0x7b: {  	_ =	shalt  }
0x7c: {  	_ =	shalt  }
0x7d: {  	_ =	shalt  }
0x7e: {  	_ =	shalt  }
0x7f: {  	_ =	shalt  }
0x80: {  	_ =	shalt  }
0x81: {  	_ =	shalt  }
0x82: {  	_ =	shalt  }
0x83: {  	_ =	shalt  }
0x84: {  	_ =	shalt  }
0x85: {  	_ =	shalt  }
0x86: {  	_ =	shalt  }
0x87: {  	_ =	shalt  }
.Lfunc_end0:
.L_simem_size_0:
called_computation_lowered:
.L_overlay_start_0:
0x88: {  	s2 =	sld [smem:$0x3FD9]  }
0x89: {  	s3 =	sld [smem:$0x3FFE];
	_ =	sdelay $0x1  }
0x8a: {  	s1 =	srdreg.scid  }
0x8b: {  	s0 =	sand.u32 $0x1, s1  }
0x8c: {  	s17 =	sshll.u32 s0, $0xA;
	s2 =	sadd.s32 s3, s2  }
0x8d: {  	s2 =	sadd.s32 s2, s17  }
0x8e: {  	[smem:$0x3FC5] =	sst s2  }
0x8f: {  	_ = 	snop  }
0x90: {  	s2 =	sld [smem:$0x3FD0];
	(tm) =	ssettm $0x1  }
0x91: {  	s18 =	sld [smem:$0x3FFB];
	_ =	sdelay $0x3  }
0x92: {  	_ =	strace s18  }
0x93: {  	s3 =	sld [smem:$0x3FFC];
	_ =	sdelay $0x3  }
0x94: {  	_ =	strace s3  }
0x95: {  	s3 =	sld [smem:$0x3FFD];
	_ =	sdelay $0x3  }
0x96: {  	_ =	strace s3  }
0x97: {  	_ =	strace $0x8FFFFFFF  }
0x98: {  	s19 =	sld [smem:$0x3FDB];
	_ =	sdelay $0x1  }
0x99: {  	s4 =	simm.s32 $_scs_section_size  }
0x9a: {  	s5 =	simm.s32 $_size__tile_overlayer_lowered;
	s6 =	simm.s32 $_tile_overlayer_lowered  }
0x9b: {  	s22 =	simm.s32 $0x1BFF;
	s21 =	sshll.u32 s6, $0x1;
	s3 =	sadd.s32 s4, s19  }
0x9c: {  	s7 =	simm.s32 $0x0;
	s20 =	sshll.u32 s5, $0x1;
	s5 =	sadd.s32 s21, s3  }
0x9d: {  	[timem:s7], [sflag:s22] =	dma.local [hbm:s5], s20  }
0x9e: {  	_ =	swait.ge [sflag:s22], s20  }
0x9f: {  	s4 =	ssub.s32 $0x0, s20;
	[sflag:s22] =	ssyncset.done $0x0  }
0xa0: {  	[sflag:s22] =	ssyncadd.s32 s4;
	_ =	sdelay $0x1  }
0xa1: {  	s23 =	simm.s32 $0x1B8B  }
0xa2: {  	_ =	swait.ge [sflag:s23], $0x1  }
0xa3: {  	[sflag:s23] =	ssyncset.done $0x0  }
0xa4: {  	s25 =	simm.s32 $0x1B8E;
	s24 =	sld [smem:$0x3FFE];
	[sflag:s23] =	ssyncadd.s32 $0xFFFFFFFF  }
0xa5: {  	s26 =	simm.s32 $execute0_lowered;
	[smem:$0x3FD2] =	sst s25  }
0xa6: {  	s5 =	sshll.u32 s26, $0x1;
	_ =	strace $0x80000046;
	[dreg:$0x1] =	wrdreg $0xFFFFFFFF  }
0xa7: {  	s28 =	simm.s32 $_size_execute0_lowered;
	s3 =	sadd.s32 s3, s5;
	[dreg:$0x0] =	wrdreg $0x0  }
0xa8: {  	s5 =	sshll.u32 s28, $0x1;
	[dreg:$0x2] =	wrdreg s3  }
0xa9: {  	[dreg:$0x3] =	wrdreg s5  }
0xaa: {  	[dreg:$0x4] =	wrdreg $0xC0  }
0xab: {  	_ =	task [dreg:s7], $0x5FFFF  }
0xac: {  	[dreg:$0x1] =	wrdreg $0xFFFFFFFF  }
0xad: {  	[dreg:$0x0] =	wrdreg $0x60  }
0xae: {  	[dreg:$0x2] =	wrdreg s2  }
0xaf: {  	[dreg:$0x3] =	wrdreg s24  }
0xb0: {  	[dreg:$0x4] =	wrdreg $0xB7800  }
0xb1: {  	[dreg:$0x5] =	wrdreg $0x9  }
0xb2: {  	_ =	task.clear_ibuf [dreg:s7], $0x6FFFF;
	_ =	strace $0x90000046  }
0xb3: {  	s29 =	simm.s32 $0x9;
	_ =	strace $0x80000048  }
0xb4: {  	_ =	swait.ge [sflag:s29], $0x1  }
0xb5: {  	[sflag:s29] =	ssyncadd.s32 $0xFFFFFFFF  }
0xb6: {  	_ =	strace $0x90000048  }
0xb7: {  	_ =	sfence  }
0xb8: {  	s30 =	sld [smem:$0x0];
	_ =	sdelay $0x2  }
0xb9: {  	s31 =	sshll.u32 s1, $0xD;
	s1 =	sshrl.u32 s1, $0x2  }
0xba: {  	s3 =	sand.u32 $0x4000, s31;
	s1 =	sadd.s32 s1, s30  }
0xbb: {  	s0 =	sor.u32 s3, s0;
	s1 =	sshll.u32 s1, $0x11  }
0xbc: {  	s0 =	sor.u32 s1, s0  }
0xbd: {  	s0 =	sadd.s32 $0x8F2B, s0  }
0xbe: {  	[sflag:s0] =	ssyncadd.remote.s32 $0x1  }
0xbf: {  	_ =	sfence.sel $0xFFFF  }
0xc0: {  	[dreg:$0x0] =	wrdreg $0xFFFFFFFF;
	(pc) =	sbr.abs _section_cstart, $3  }
0xc1: {  	[dreg:$0x1] =	wrdreg $0xFFFFFFFF  }
0xc2: {  	_ =	task.clear_ibuf [dreg:s7], $0x2FFFF;
	_ =	strace $0x9FFFFFFF  }
0xc3: {  	(tm) =	ssettm $0x7FFFFFFF  }
tec
execute0_lowered:
.L_overlay_start_1:
0x0: {  	(tag) =	ssettag $0x1  }
0x1: {  	s1 =	rddreg [dreg:$0x0]  }
0x2: {  	s5 =	rddreg [dreg:$0x1];
	s2 =	srdreg.scid  }
0x3: {  	s0 =	stileid.u32;
	s3 =	rddreg [dreg:$0x2]  }
0x4: {  	s4 =	simm.s32 $0x0;
	s14 =	simm.s32 $0x50;
	s15 =	simm.s32 $0x6780  }
0x5: {  	s16 =	simm.s32 $0x1;
	s17 =	simm.s32 $0x8F80;
	s18 =	simm.s32 $0x2  }
0x6: {  	s19 =	simm.s32 $0x6580;
	s20 =	simm.s32 $0x0;
	s6 =	sand.u32 $0x1, s2  }
0x7: {  	s7 =	sshll.u32 s0, $0x1;
	s2 =	rddreg [dreg:$0x3];
	s9 =	smul.u32 $0x2700, s0  }
0x8: {  	[smem:$0x7FF] =	sst s4;
	s28 =	smul.u32 $0x4E000, s0;
	s31 =	sshll.u32 s0, $0x6  }
0x9: {  	s7 =	sor.u32 s6, s7;
	_ =	strace $0x80000047;
	s10 =	smul.u32 $0x27100, s6  }
0xa: {  	s6 =	ssub.s32 $0x2, s6;
	s8 =	smul.u32 $0x4E2, s7;
	s7 =	sshll.u32 s7, $0xB  }
0xb: {  	s12 =	sadd.s32 s9, s5;
	s29 =	sshrl.u32 s6, $0x1;
	s30 =	sshrl.u32 s28, $0x2  }
0xc: {  	s11 =	sadd.s32 s7, s5;
	s9 =	sadd.s32 s9, s10;
	s10 =	ssub.s32 s6, s29  }
0xd: {  	s13 =	sadd.s32 s30, s3;
	s6 =	sor.u32 $0x1C03, s31;
	s8 =	sadd.s32 s8, s5  }
0xe: {  	s9 =	sadd.s32 s9, s5;
	s5 =	sadd.s32 $0x1A200, s12;
	s10 =	smax.u32 s10, $0x1  }
0xf: {  	s12 =	simm.s32 $0x3;
	s7 =	sadd.s32 $0x400, s8;
	s8 =	sadd.s32 $0xA200, s11  }
0x10: {  	s9 =	sadd.s32 $0x41400, s9;
	s11 =	sshrl.u32 s13, $0x3;
	s13 =	simm.s32 $0x2780  }
.LBB2_1:
0x11: {  	[spmem:s11], [sflag:s6] =	dma.local [hbm:s5], $0x2800  }
0x12: {  	_ =	swait.ge [sflag:s12], $0x2800  }
0x13: {  	[sflag:s12] =	ssyncset.done $0x0  }
0x14: {  	[sflag:s12] =	ssyncadd.s32 $0xFFFFD800  }
0x15: {  	[tilespmem:s4], [sflag:$0x3] =	stream.linear.gather [hbm4b:s7+s4], $0x2710, $0x38;
	[tilespmem:$0x1F000] =	vst v63  }
0x16: {  	_ =	swait.ge [sflag:s12], $0x2710  }
0x17: {  	[sflag:s12] =	ssyncset.done $0x0  }
0x18: {  	[sflag:s12] =	ssyncadd.s32 $0xFFFFD8F0  }
0x19: {  	[tilespmem:s13], [sflag:$0x3] =	stream.linear.gather [hbm4b:s8+s4], $0x3E80, $0x38;
	[tilespmem:$0x1F000] =	vst v63  }
0x1a: {  	_ =	swait.ge [sflag:s12], $0x3E80  }
0x1b: {  	[sflag:s12] =	ssyncset.done $0x0  }
0x1c: {  	[sflag:s12] =	ssyncadd.s32 $0xFFFFC180  }
0x1d: {  	[bflag:$0x0] =	sbarrier.arrive $0xFFFF  }
0x1e: {  	[tilespmem:s15], [sflag:$0x1] =	stream.indirect.gather [hbm4b:s1+s14], $0x80, s4, s14, $0xb8;
	[tilespmem:$0x1F000] =	vst v63  }
0x1f: {  	_ =	swait.ge [sflag:s16], $0x2800  }
0x20: {  	[sflag:s16] =	ssyncset.done $0x0  }
0x21: {  	s21 =	simm.s32 $0x50;
	[sflag:s16] =	ssyncadd.s32 $0xFFFFD800  }
0x22: {  	[tilespmem:s17], [sflag:$0x2] =	stream.indirect.gather [hbm4b:s1+s14], $0x80, s21, s14, $0xb8;
	[tilespmem:$0x1F000] =	vst v63  }
0x23: {  	s31 =	simm.s32 $0x2780  }
0x24: {  	[spmem:s3] =	stream.indirect.scatter.add.f32 [tilespmem:s15], [sflag:$0x3], $0x80, s31, s14, $0xb8;
	[tilespmem:$0x1F000] =	vst v63  }
0x25: {  	_ =	swait.ge [sflag:s12], $0x2800  }
0x26: {  	[sflag:s12] =	ssyncset.done $0x0  }
0x27: {  	[sflag:s12] =	ssyncadd.s32 $0xFFFFD800  }
0x28: {  	_ =	swait.ge [sflag:s18], $0x2800  }
0x29: {  	[sflag:s18] =	ssyncset.done $0x0  }
0x2a: {  	s21 =	simm.s32 $0xA0;
	[sflag:s18] =	ssyncadd.s32 $0xFFFFD800  }
0x2b: {  	[tilespmem:s15], [sflag:$0x1] =	stream.indirect.gather [hbm4b:s1+s14], $0x80, s21, s14, $0xb8;
	[tilespmem:$0x1F000] =	vst v63  }
0x2c: {  	s22 =	simm.s32 $0x2800  }
0x2d: {  	[spmem:s3] =	stream.indirect.scatter.add.f32 [tilespmem:s17], [sflag:$0x3], $0x80, s22, s14, $0xb8;
	[tilespmem:$0x1F000] =	vst v63  }
0x2e: {  	_ =	swait.ge [sflag:s12], $0x2800  }
0x2f: {  	s22 =	simm.s32 $0x400;
	[sflag:s12] =	ssyncset.done $0x0  }
.LBB2_2:
0x30: {  	p0 =	sne.s32 s22, $0xF400;
	[sflag:s12] =	ssyncadd.s32 $0xFFFFD800;
	s21 =	sadd.s32 $0xA0, s21  }
0x31: {  	s23 =	smov.u32 s22;
	s22 =	sadd.s32 $0x400, s22  }
0x32: {  	_ =	swait.ge [sflag:s16], $0x2800  }
0x33: {  	[sflag:s16] =	ssyncset.done $0x0  }
0x34: {  	s24 =	sadd.s32 $0xFFFFFFB0, s21;
	s23 =	sshra.s32 s23, $0x2;
	[sflag:s16] =	ssyncadd.s32 $0xFFFFD800  }
0x35: {  	[tilespmem:s17], [sflag:$0x2] =	stream.indirect.gather [hbm4b:s1+s14], $0x80, s24, s14, $0xb8;
	[tilespmem:$0x1F000] =	vst v63  }
0x36: {  	s24 =	sadd.s32 $0x2780, s23  }
0x37: {  	[spmem:s3] =	stream.indirect.scatter.add.f32 [tilespmem:s15], [sflag:$0x3], $0x80, s24, s14, $0xb8;
	[tilespmem:$0x1F000] =	vst v63  }
0x38: {  	_ =	swait.ge [sflag:s12], $0x2800  }
0x39: {  	[sflag:s12] =	ssyncset.done $0x0  }
0x3a: {  	[sflag:s12] =	ssyncadd.s32 $0xFFFFD800  }
0x3b: {  	_ =	swait.ge [sflag:s18], $0x2800  }
0x3c: {  	[sflag:s18] =	ssyncset.done $0x0  }
0x3d: {  	[sflag:s18] =	ssyncadd.s32 $0xFFFFD800  }
0x3e: {  	[tilespmem:s15], [sflag:$0x1] =	stream.indirect.gather [hbm4b:s1+s14], $0x80, s21, s14, $0xb8;
	[tilespmem:$0x1F000] =	vst v63  }
.Ltmp0:
0x3f: {  	_ = 	snop;
	(pc) =	sbr.rel @p0 .LBB2_2-.Ltmp0, $4  }
0x40: {  	s23 =	sadd.s32 $0x2800, s23  }
0x41: {  	[spmem:s3] =	stream.indirect.scatter.add.f32 [tilespmem:s17], [sflag:$0x3], $0x80, s23, s14, $0xb8;
	[tilespmem:$0x1F000] =	vst v63  }
0x42: {  	_ =	swait.ge [sflag:s12], $0x2800  }
0x43: {  	[sflag:s12] =	ssyncset.done $0x0  }
0x44: {  	[sflag:s12] =	ssyncadd.s32 $0xFFFFD800  }
0x45: {  	_ =	swait.ge [sflag:s16], $0x2800  }
0x46: {  	[sflag:s16] =	ssyncset.done $0x0  }
0x47: {  	[sflag:s16] =	ssyncadd.s32 $0xFFFFD800  }
0x48: {  	[spmem:s3] =	stream.indirect.scatter.add.f32 [tilespmem:s15], [sflag:$0x3], $0x80, s19, s14, $0xb8;
	[tilespmem:$0x1F000] =	vst v63  }
0x49: {  	_ =	swait.ge [sflag:s12], $0x2800  }
0x4a: {  	s20 =	sadd.s32 $0x1, s20;
	[sflag:s12] =	ssyncset.done $0x0  }
0x4b: {  	p0 =	sne.s32 s20, s10;
	[sflag:s12] =	ssyncadd.s32 $0xFFFFD800  }
.Ltmp1:
0x4c: {  	[bflag:$0x0] =	sbarrier.arrive $0xFFFF;
	(pc) =	sbr.rel @p0 .LBB2_1-.Ltmp1, $4  }
0x4d: {  	[hbm:s9], [sflag:s6] =	dma.local [spmem:s11], $0x2800  }
0x4e: {  	_ =	swait.ge [sflag:s12], $0x2800  }
0x4f: {  	[sflag:s12] =	ssyncset.done $0x0  }
0x50: {  	[sflag:s12] =	ssyncadd.s32 $0xFFFFD800  }
0x51: {  	_ =	sfence.sel $0x180000  }
0x52: {  	[bflag:$0x0] =	sbarrier.arrive $0xFFFF  }
0x53: {  	p0 =	sne.s32 s0, $0x0;
	_ =	strace $0x90000047  }
0x54: {  	s0 =	sadd.s32 @!p0 $0x100000, s2;
	[bflag:$0x2] =	sbarrier.arrive $0xFFFF  }
0x55: {  	[sflag:s0] =	ssyncadd.tile.s32 @!p0 $0x1;
	_ =	shalt  }
.Lfunc_end2:
_tile_overlayer_lowered:
.L_overlay_start_2:
0x56: {  	(tag) =	ssettag $0x2  }
0x57: {  	s0 =	rddreg [dreg:$0x0];
	s2 =	stileid.u32  }
0x58: {  	s1 =	rddreg [dreg:$0x1];
	p0 =	sne.s32 s2, $0x0  }
0x59: {  	s3 =	rddreg [dreg:$0x2];
	[bflag:$0x3] =	sbarrier.arrive $0xFFFF;
	s2 =	simm.s32 @!p0 $0x1C03  }
0x5a: {  	[timem:s3], [sflag:s2] =	dma.local @!p0 [hbm:s0], s1  }
0x5b: {  	s0 =	simm.s32 @!p0 $0x3  }
0x5c: {  	_ =	swait.ge @!p0 [sflag:s0], s1  }
0x5d: {  	s1 =	ssub.s32 @!p0 $0x0, s1;
	[sflag:s0] =	ssyncset.done @!p0 $0x0  }
0x5e: {  	[sflag:s0] =	ssyncadd.s32 @!p0 s1  }
0x5f: {  	[bflag:$0x3] =	sbarrier.arrive $0xFFFF  }
0x60: {  	_ =	shalt  }

</sc_bundles>
